<compile_context>
chip_gen: v7x
topology: tpu7x:2x2x1
jax: 0.10.2.dev20260603
libtpu: 0.0.44.dev20260713+nightly
codegen_flags: <defaults>
</compile_context>

<pallas_src>
import jax
import jax.numpy as jnp
from jax import lax
from jax.experimental import pallas as pl
from jax.experimental.pallas import tpu as pltpu
from jax.experimental.pallas import tpu_sc as plsc

_B = 5
_K = 10
_C = 128
_DE = 16
_N = 10000
_E = 160000

_NC = 2
_NS = 16
_NW = _NC * _NS

_EPT = _E // _NW
_CHUNK = 128
_EPT_PAD = ((_EPT + _CHUNK - 1) // _CHUNK) * _CHUNK
_NCHUNK = _EPT_PAD // _CHUNK
_TBL = 10240
_RZ = _TBL // _NS

_BIGI = 2 ** 30
_NEG = float('-inf')


def _sc_gather_body(xw_hbm, src_hbm, out_hbm, rows_v, si_v, sem):
    c = lax.axis_index("c")
    s = lax.axis_index("s")
    base = (c * _NS + s) * _EPT_PAD

    def chunk(i, carry):
        off = base + i * _CHUNK
        pltpu.sync_copy(src_hbm.at[pl.ds(off, _CHUNK)], si_v)
        pltpu.async_copy(xw_hbm.at[si_v], rows_v, sem).wait()
        pltpu.sync_copy(rows_v, out_hbm.at[pl.ds(off, _CHUNK)])
        return carry

    lax.fori_loop(0, _NCHUNK, chunk, 0)


@jax.jit
def _sc_gather(xw, src_p):
    mesh = plsc.VectorSubcoreMesh(core_axis_name="c", subcore_axis_name="s")
    return pl.kernel(
        _sc_gather_body,
        out_type=jax.ShapeDtypeStruct((_EPT_PAD * _NW, _C), jnp.float32),
        mesh=mesh,
        scratch_types=[
            pltpu.VMEM((_CHUNK, _C), jnp.float32),
            pltpu.VMEM((_CHUNK,), jnp.int32),
            pltpu.SemaphoreType.DMA,
        ],
    )(xw, src_p)


def _add_body(a_ref, b_ref, o_ref):
    o_ref[...] = a_ref[...] + b_ref[...]


@jax.jit
def _add(a, b):
    br = 2048
    return pl.pallas_call(
        _add_body,
        grid=(a.shape[0] // br,),
        in_specs=[pl.BlockSpec((br, _C), lambda i: (i, 0)),
                  pl.BlockSpec((br, _C), lambda i: (i, 0))],
        out_specs=pl.BlockSpec((br, _C), lambda i: (i, 0)),
        out_shape=jax.ShapeDtypeStruct(a.shape, jnp.float32),
    )(a, b)


def _sc_segsum_body(msg_hbm, dst_hbm, zx_hbm,
                    agg_hbm, shx, rows_v, si_v, di_v, sem):
    c = lax.axis_index("c")
    s = lax.axis_index("s")
    pltpu.sync_copy(zx_hbm, rows_v)
    for r in range(_RZ // _CHUNK):
        pltpu.sync_copy(rows_v, shx.at[pl.ds(s * _RZ + r * _CHUNK, _CHUNK)])
    plsc.subcore_barrier()

    base = (c * _NS + s) * _EPT_PAD

    def chunk(i, carry):
        off = base + i * _CHUNK
        pltpu.sync_copy(dst_hbm.at[pl.ds(off, _CHUNK)], di_v)
        pltpu.sync_copy(msg_hbm.at[pl.ds(off, _CHUNK)], rows_v)
        pltpu.sync_copy(rows_v, shx.at[di_v], add=True)
        return carry

    lax.fori_loop(0, _NCHUNK, chunk, 0)
    plsc.subcore_barrier()
    for r in range(_RZ // _CHUNK):
        off = s * _RZ + r * _CHUNK
        pltpu.sync_copy(shx.at[pl.ds(off, _CHUNK)], rows_v)
        pltpu.sync_copy(rows_v, agg_hbm.at[c, pl.ds(off, _CHUNK)])


@jax.jit
def _sc_segsum(msg_p, dst_p, zx):
    mesh = plsc.VectorSubcoreMesh(core_axis_name="c", subcore_axis_name="s")
    return pl.kernel(
        _sc_segsum_body,
        out_type=jax.ShapeDtypeStruct((_NC, _TBL, _C), jnp.float32),
        mesh=mesh,
        scratch_types=[
            pltpu.VMEM_SHARED((_TBL, _C), jnp.float32),
            pltpu.VMEM((_CHUNK, _C), jnp.float32),
            pltpu.VMEM((_CHUNK,), jnp.int32),
            pltpu.VMEM((_CHUNK,), jnp.int32),
            pltpu.SemaphoreType.DMA,
        ],
    )(msg_p, dst_p, zx)


def _matmul_body(a_ref, w_ref, o_ref):
    o_ref[...] = jnp.dot(a_ref[...], w_ref[...],
                         preferred_element_type=jnp.float32)


def _matmul(a, w, br):
    m, ka = a.shape
    return pl.pallas_call(
        _matmul_body,
        grid=(m // br,),
        in_specs=[
            pl.BlockSpec((br, ka), lambda i: (i, 0)),
            pl.BlockSpec((ka, _C), lambda i: (0, 0)),
        ],
        out_specs=pl.BlockSpec((br, _C), lambda i: (i, 0)),
        out_shape=jax.ShapeDtypeStruct((m, _C), jnp.float32),
    )(a, w)


_BN = 1000


def _encode_body(x_ref, a2_ref, wr_ref, b_ref, h_ref):
    h_ref[...] = (jnp.dot(x_ref[...], wr_ref[...],
                          preferred_element_type=jnp.float32)
                  + a2_ref[0] + a2_ref[1] + b_ref[...])


@jax.jit
def _encode(x, agg, W_root, b2):
    return pl.pallas_call(
        _encode_body,
        grid=(_N // _BN,),
        in_specs=[
            pl.BlockSpec((_BN, _C), lambda i: (i, 0)),
            pl.BlockSpec((_NC, _BN, _C), lambda i: (0, i, 0)),
            pl.BlockSpec((_C, _C), lambda i: (0, 0)),
            pl.BlockSpec((1, _C), lambda i: (0, 0)),
        ],
        out_specs=pl.BlockSpec((_BN, _C), lambda i: (i, 0)),
        out_shape=jax.ShapeDtypeStruct((_N, _C), jnp.float32),
    )(x, agg, W_root, b2)


_BS = 400
_BT = 512
_NTP = ((_N + _BT - 1) // _BT) * _BT


def _match_body(ptr_s, ptr_t, hs_ref, ht_ref, s0_ref, si_ref):
    blk = pl.program_id(0)
    row0 = blk * _BS
    rows = row0 + lax.broadcasted_iota(jnp.int32, (_BS, 1), 0)
    lane16 = lax.broadcasted_iota(jnp.int32, (_BS, 16), 1)

    b_i = jnp.zeros((_BS, 1), jnp.int32)
    for bb in range(1, _B):
        b_i += (rows >= ptr_s[bb]).astype(jnp.int32)
    start = jnp.zeros((_BS, 1), jnp.int32)
    end = jnp.zeros((_BS, 1), jnp.int32)
    for bb in range(_B):
        sel = b_i == bb
        start = jnp.where(sel, ptr_t[bb], start)
        end = jnp.where(sel, ptr_t[bb + 1], end)
    count = end - start

    b_first = jnp.int32(0)
    b_last = jnp.int32(0)
    for bb in range(1, _B):
        b_first += (row0 >= ptr_s[bb]).astype(jnp.int32)
        b_last += (row0 + _BS - 1 >= ptr_s[bb]).astype(jnp.int32)
    lo = ptr_t[b_first]
    hi = ptr_t[b_last + 1]
    t0 = lo // _BT
    t1 = (hi + _BT - 1) // _BT

    hs = hs_ref[...]

    def tile_step(t, carry):
        rv, ri = carry
        htt = ht_ref[pl.ds(t * _BT, _BT), :]
        sims = lax.dot_general(hs, htt, (((1,), (1,)), ((), ())),
                               precision=lax.Precision.DEFAULT,
                               preferred_element_type=jnp.float32)
        gcol = t * _BT + lax.broadcasted_iota(jnp.int32, (_BS, _BT), 1)
        sims = jnp.where((gcol >= start) & (gcol < end), sims, _NEG)
        rptr = jnp.zeros((_BS, 1), jnp.int32)
        newv = []
        newi = []
        for _ in range(_K):
            tm = jnp.max(sims, axis=1, keepdims=True)
            ti = jnp.min(jnp.where(sims == tm, gcol, _BIGI), axis=1,
                         keepdims=True)
            rvk = jnp.max(jnp.where(lane16 == rptr, rv, _NEG), axis=1,
                          keepdims=True)
            rik = jnp.min(jnp.where(lane16 == rptr, ri, _BIGI), axis=1,
                          keepdims=True)
            take = (tm > rvk) | ((tm == rvk) & (ti < rik))
            newv.append(jnp.where(take, tm, rvk))
            newi.append(jnp.where(take, ti, rik))
            sims = jnp.where(take & (gcol == ti), _NEG, sims)
            rptr = rptr + jnp.where(take, 0, 1)
        pad_v = jnp.full((_BS, 16 - _K), _NEG, jnp.float32)
        pad_i = jnp.full((_BS, 16 - _K), _BIGI, jnp.int32)
        return (jnp.concatenate(newv + [pad_v], axis=1),
                jnp.concatenate(newi + [pad_i], axis=1))

    rv0 = jnp.full((_BS, 16), _NEG, jnp.float32)
    ri0 = jnp.full((_BS, 16), _BIGI, jnp.int32)
    rv, ri = lax.fori_loop(t0, t1, tile_step, (rv0, ri0))

    nonneg = (rv >= 0.0) & (lane16 < _K)
    p = jnp.sum(nonneg.astype(jnp.int32), axis=1, keepdims=True)
    z = jnp.minimum(_N - count, _K - p)
    sel = jnp.where(lane16 < p, lane16, lane16 - z)
    sel = jnp.clip(sel, 0, 15)
    gv = jnp.zeros((_BS, 16), jnp.float32)
    gi = jnp.zeros((_BS, 16), jnp.int32)
    for k in range(16):
        hit = sel == k
        gv = jnp.where(hit, rv[:, k:k + 1], gv)
        gi = jnp.where(hit, ri[:, k:k + 1], gi)
    zband = (lane16 >= p) & (lane16 < p + z)
    vfin = jnp.where(zband, 0.0, gv)
    ifin = jnp.where(zband, count + (lane16 - p), gi - start)
    valid = lane16 < _K
    vmax = jnp.max(jnp.where(valid, vfin, _NEG), axis=1, keepdims=True)
    ex = jnp.where(valid, jnp.exp(vfin - vmax), 0.0)
    s0 = ex / jnp.sum(ex, axis=1, keepdims=True)
    s0_ref[...] = jnp.where(valid, s0, 0.0)
    si_ref[...] = jnp.where(valid, ifin, 0)


@jax.jit
def _match(h_s, h_t, ptr_s8, ptr_t8):
    h_t = jnp.pad(h_t, ((0, _NTP - _N), (0, 0)))
    return pl.pallas_call(
        _match_body,
        grid=(_N // _BS,),
        in_specs=[
            pl.BlockSpec(memory_space=pltpu.SMEM),
            pl.BlockSpec(memory_space=pltpu.SMEM),
            pl.BlockSpec((_BS, _C), lambda i: (i, 0)),
            pl.BlockSpec((_NTP, _C), lambda i: (0, 0)),
        ],
        out_specs=[
            pl.BlockSpec((_BS, 16), lambda i: (i, 0)),
            pl.BlockSpec((_BS, 16), lambda i: (i, 0)),
        ],
        out_shape=[
            jax.ShapeDtypeStruct((_N, 16), jnp.float32),
            jax.ShapeDtypeStruct((_N, 16), jnp.int32),
        ],
    )(ptr_s8, ptr_t8, h_s, h_t)


def _pad_edges(edge_index, edge_attr):
    src = edge_index[0].reshape(_NW, _EPT)
    dst = edge_index[1].reshape(_NW, _EPT)
    ea = edge_attr.reshape(_NW, _EPT, _DE)
    padn = _EPT_PAD - _EPT
    src_p = jnp.concatenate(
        [src, jnp.zeros((_NW, padn), jnp.int32)], axis=1).reshape(-1)
    dst_p = jnp.concatenate(
        [dst, jnp.full((_NW, padn), _N, jnp.int32)], axis=1).reshape(-1)
    ea_p = jnp.concatenate(
        [ea, jnp.zeros((_NW, padn, _DE), jnp.float32)], axis=1).reshape(-1, _DE)
    return src_p, dst_p, ea_p


def _ptr(batch):
    ptr = jnp.searchsorted(batch, jnp.arange(_B + 1, dtype=jnp.int32),
                           side='left').astype(jnp.int32)
    return jnp.concatenate([ptr, jnp.full((2,), _N, jnp.int32)])


def kernel(x_s, edge_index_s, edge_attr_s, batch_s,
           x_t, edge_index_t, edge_attr_t, batch_t,
           W_root, W_nbr, W_edge, b):
    ptr_s8 = _ptr(batch_s)
    ptr_t8 = _ptr(batch_t)
    zx = jnp.zeros((_CHUNK, _C), jnp.float32)
    b2 = b.reshape(1, _C)

    src_s, dst_s, ea_s = _pad_edges(edge_index_s, edge_attr_s)
    src_t, dst_t, ea_t = _pad_edges(edge_index_t, edge_attr_t)

    xw_s = _matmul(x_s, W_nbr, _BN)
    xw_t = _matmul(x_t, W_nbr, _BN)
    ew_s = _matmul(ea_s, W_edge, 2048)
    ew_t = _matmul(ea_t, W_edge, 2048)

    msg_s = _add(_sc_gather(xw_s, src_s), ew_s)
    msg_t = _add(_sc_gather(xw_t, src_t), ew_t)

    agg_s = _sc_segsum(msg_s, dst_s, zx)
    agg_t = _sc_segsum(msg_t, dst_t, zx)

    h_s = _encode(x_s, agg_s, W_root, b2)
    h_t = _encode(x_t, agg_t, W_root, b2)

    s0p, sip = _match(h_s, h_t, ptr_s8, ptr_t8)
    return s0p[:, :_K], sip[:, :_K]

# --- scband reference (transcript-rebuilt; emitter-appended) ---
"""Pipeline reference for scband-euclidean-graph-matching-90426241450715 (READ-ONLY COPY).

The authoritative reference and input builder live on the scoring server;
editing this copy changes nothing except your own understanding.
"""

import jax, jax.numpy as jnp
import numpy as np

B = 5
K = 10
C_IN = 128
C_OUT = 128
D_E = 16
N = 10000
E = 160000


def setup_inputs(seed: int = 0) -> dict:
    key = jax.random.key(seed)
    ks = jax.random.split(key, 12)
    x_s = jax.random.normal(ks[0], (N, C_IN), dtype=jnp.float32)
    edge_index_s = jax.random.randint(ks[1], (2, E), 0, N, dtype=jnp.int32)
    edge_attr_s = jax.random.normal(ks[2], (E, D_E), dtype=jnp.float32)
    batch_s = jnp.sort(jax.random.randint(ks[3], (N,), 0, B, dtype=jnp.int32))
    x_t = jax.random.normal(ks[4], (N, C_IN), dtype=jnp.float32)
    edge_index_t = jax.random.randint(ks[5], (2, E), 0, N, dtype=jnp.int32)
    edge_attr_t = jax.random.normal(ks[6], (E, D_E), dtype=jnp.float32)
    batch_t = jnp.sort(jax.random.randint(ks[7], (N,), 0, B, dtype=jnp.int32))
    W_root = jax.random.normal(ks[8], (C_IN, C_OUT), dtype=jnp.float32) * (1.0 / np.sqrt(C_IN))
    W_nbr = jax.random.normal(ks[9], (C_IN, C_OUT), dtype=jnp.float32) * (1.0 / np.sqrt(C_IN))
    W_edge = jax.random.normal(ks[10], (D_E, C_OUT), dtype=jnp.float32) * (1.0 / np.sqrt(D_E))
    b = jnp.zeros((C_OUT,), dtype=jnp.float32)
    return {
        'x_s': x_s, 'edge_index_s': edge_index_s, 'edge_attr_s': edge_attr_s, 'batch_s': batch_s,
        'x_t': x_t, 'edge_index_t': edge_index_t, 'edge_attr_t': edge_attr_t, 'batch_t': batch_t,
        'W_root': W_root, 'W_nbr': W_nbr, 'W_edge': W_edge, 'b': b,
    }


def psi_fn(x, edge_index, edge_attr, W_root, W_nbr, W_edge, b):
    # shared GNN encoder psi: root transform + sum-aggregated neighbor/edge messages
    src = edge_index[0]
    dst = edge_index[1]
    msg = x[src] @ W_nbr + edge_attr @ W_edge
    agg = jax.ops.segment_sum(msg, dst, num_segments=x.shape[0])
    return x @ W_root + agg + b


def to_dense_batch(h, batch):
    n = h.shape[0]
    counts = jnp.bincount(batch, length=B)
    n_max = n
    ptr = jnp.concatenate([jnp.zeros((1,), dtype=jnp.int32), jnp.cumsum(counts).astype(jnp.int32)])
    pos = jnp.arange(n, dtype=jnp.int32) - ptr[batch]
    dense = jnp.zeros((B, n_max, h.shape[1]), h.dtype).at[batch, pos].set(h)
    mask = jnp.zeros((B, n_max), dtype=bool).at[batch, pos].set(True)
    return dense, mask, pos


def reference(x_s, edge_index_s, edge_attr_s, batch_s, x_t, edge_index_t, edge_attr_t, batch_t, W_root, W_nbr, W_edge, b):
    h_s = psi_fn(x_s, edge_index_s, edge_attr_s, W_root, W_nbr, W_edge, b)
    h_t = psi_fn(x_t, edge_index_t, edge_attr_t, W_root, W_nbr, W_edge, b)
    hs_d, s_mask, pos_s = to_dense_batch(h_s, batch_s)
    ht_d, t_mask, pos_t = to_dense_batch(h_t, batch_t)
    # __top_k__ with sim='dot': full similarity then top-k candidate indices
    S_full = jnp.einsum('bnc,bmc->bnm', hs_d, ht_d)
    _, S_idx = jax.lax.top_k(S_full, K)  # [B, N_s, K]
    Bb, N_s, C = hs_d.shape
    idx = S_idx.reshape(Bb, N_s * K)
    tmp_t = jnp.take_along_axis(ht_d, idx[:, :, None], axis=1).reshape(Bb, N_s, K, C)
    S_hat = jnp.sum(hs_d[:, :, None, :] * tmp_t, axis=-1)  # [B, N_s, K]
    S_0 = jax.nn.softmax(S_hat, axis=-1)
    S_0 = S_0[batch_s, pos_s]          # [total_valid_s_nodes, K] values of sparse S
    S_idx_out = S_idx[batch_s, pos_s]  # [total_valid_s_nodes, K] column indices of sparse S
    return S_0, S_idx_out

if __name__ == "__main__":
    import jax
    _d = setup_inputs()
    print(jax.jit(kernel)(*tuple(_d.values())))

</pallas_src>

<mosaic_0001>
#map = affine_map<(d0, d1) -> (0, 0)>
#map1 = affine_map<(d0, d1) -> (0)>
module attributes {stable_mosaic.version = 14 : i64} {
  func.func @_sc_gather_body(%arg0: i32, %arg1: i32, %arg2: memref<10000x128xf32, #tpu.memory_space<hbm>>, %arg3: memref<163840xi32, #tpu.memory_space<hbm>>, %arg4: memref<163840x128xf32, #tpu.memory_space<hbm>>, %arg5: memref<128x128xf32, #tpu.memory_space<vmem>>, %arg6: memref<128xi32, #tpu.memory_space<vmem>>, %arg7: memref<!tpu.dma_semaphore, #tpu.memory_space<semaphore_mem>>) attributes {dimension_semantics = [#tpu.dimension_semantics<core_parallel>, #tpu.dimension_semantics<subcore_parallel>], iteration_bounds = array<i64: 2, 16>, scalar_prefetch = 0 : i64, scratch_operands = 3 : i64, tpu.core_type = #tpu.core_type<sc_vector_subcore>, window_params = [{transform_indices = #map}, {transform_indices = #map1}, {transform_indices = #map}]} {
    %mul3A = arith.constant 16 : i32
    %mul3A_0 = arith.muli %arg0, %mul3A : i32
    %add3A = arith.addi %mul3A_0, %arg1 : i32
    %mul3A_1 = arith.constant 5120 : i32
    %mul3A_2 = arith.muli %add3A, %mul3A_1 : i32
    %scan3A = arith.constant 0 : i32
    %scan3A_3 = arith.constant 0 : i32
    %scan3A_4 = arith.constant 40 : i32
    %scan3A_5 = arith.addi %scan3A_3, %scan3A_4 : i32
    %scan3A_6 = arith.constant 1 : i32
    scf.for %scan3A_8 = %scan3A_3 to %scan3A_5 step %scan3A_6  : i32 {
      %mul3A_9 = arith.constant 128 : i32
      %mul3A_10 = arith.muli %scan3A_8, %mul3A_9 : i32
      %add3A_11 = arith.addi %mul3A_2, %mul3A_10 : i32
      "tpu.region"() ({
        %run_scoped3A = tpu.sem_alloc : memref<!tpu.dma_semaphore, #tpu.memory_space<semaphore_mem>>
        %dma_start3A_16 = tpu.memref_slice %arg3[%add3A_11] : memref<163840xi32, #tpu.memory_space<hbm>> -> memref<128xi32, #tpu.memory_space<hbm>>
        %dma_start3A_17 = tpu.memref_slice %arg3[%add3A_11] : memref<163840xi32, #tpu.memory_space<hbm>> -> memref<128xi32, #tpu.memory_space<hbm>>
        tpu.enqueue_dma source(%dma_start3A_17 : memref<128xi32, #tpu.memory_space<hbm>>) target(%arg6 : memref<128xi32, #tpu.memory_space<vmem>>) target_semaphore(%run_scoped3A : memref<!tpu.dma_semaphore, #tpu.memory_space<semaphore_mem>>)
        %dma_wait3A_18 = tpu.memref_slice %arg3[%add3A_11] : memref<163840xi32, #tpu.memory_space<hbm>> -> memref<128xi32, #tpu.memory_space<hbm>>
        %dma_wait3A_19 = tpu.memref_slice %arg3[%add3A_11] : memref<163840xi32, #tpu.memory_space<hbm>> -> memref<128xi32, #tpu.memory_space<hbm>>
        tpu.wait_dma2 semaphore(%run_scoped3A : memref<!tpu.dma_semaphore, #tpu.memory_space<semaphore_mem>>) src(%dma_wait3A_19 : memref<128xi32, #tpu.memory_space<hbm>>) dst(%arg6 : memref<128xi32, #tpu.memory_space<vmem>>)
        tpu.yield
      }) : () -> ()
      %dma_start3A = arith.constant 0 : i32
      %dma_start3A_12 = arith.constant 0 : i32
      %dma_start3A_13 = tpu.memref_slice %arg2[%dma_start3A, %dma_start3A_12] : memref<10000x128xf32, #tpu.memory_space<hbm>> -> memref<10000x128xf32, #tpu.memory_space<hbm>>
      tpu.enqueue_indirect_dma source(%dma_start3A_13 : memref<10000x128xf32, #tpu.memory_space<hbm>>) target(%arg5 : memref<128x128xf32, #tpu.memory_space<vmem>>) offsets(%arg6 : memref<128xi32, #tpu.memory_space<vmem>>) semaphore(%arg7 : memref<!tpu.dma_semaphore, #tpu.memory_space<semaphore_mem>>)
      %dma_wait3A = arith.constant 0 : i32
      %dma_wait3A_14 = arith.constant 0 : i32
      %dma_wait3A_15 = tpu.memref_slice %arg2[%dma_wait3A, %dma_wait3A_14] : memref<10000x128xf32, #tpu.memory_space<hbm>> -> memref<10000x128xf32, #tpu.memory_space<hbm>>
      tpu.wait_indirect_dma semaphore(%arg7 : memref<!tpu.dma_semaphore, #tpu.memory_space<semaphore_mem>>) src(%dma_wait3A_15 : memref<10000x128xf32, #tpu.memory_space<hbm>>) dst(%arg5 : memref<128x128xf32, #tpu.memory_space<vmem>>)
      "tpu.region"() ({
        %run_scoped3A = tpu.sem_alloc : memref<!tpu.dma_semaphore, #tpu.memory_space<semaphore_mem>>
        %dma_start3A_16 = arith.constant 0 : i32
        %dma_start3A_17 = tpu.memref_slice %arg4[%add3A_11, %dma_start3A_16] : memref<163840x128xf32, #tpu.memory_space<hbm>> -> memref<128x128xf32, #tpu.memory_space<hbm>>
        %dma_start3A_18 = arith.constant 0 : i32
        %dma_start3A_19 = tpu.memref_slice %arg4[%add3A_11, %dma_start3A_18] : memref<163840x128xf32, #tpu.memory_space<hbm>> -> memref<128x128xf32, #tpu.memory_space<hbm>>
        tpu.enqueue_dma source(%arg5 : memref<128x128xf32, #tpu.memory_space<vmem>>) target(%dma_start3A_19 : memref<128x128xf32, #tpu.memory_space<hbm>>) target_semaphore(%run_scoped3A : memref<!tpu.dma_semaphore, #tpu.memory_space<semaphore_mem>>)
        %dma_wait3A_20 = arith.constant 0 : i32
        %dma_wait3A_21 = tpu.memref_slice %arg4[%add3A_11, %dma_wait3A_20] : memref<163840x128xf32, #tpu.memory_space<hbm>> -> memref<128x128xf32, #tpu.memory_space<hbm>>
        %dma_wait3A_22 = arith.constant 0 : i32
        %dma_wait3A_23 = tpu.memref_slice %arg4[%add3A_11, %dma_wait3A_22] : memref<163840x128xf32, #tpu.memory_space<hbm>> -> memref<128x128xf32, #tpu.memory_space<hbm>>
        tpu.wait_dma2 semaphore(%run_scoped3A : memref<!tpu.dma_semaphore, #tpu.memory_space<semaphore_mem>>) src(%arg5 : memref<128x128xf32, #tpu.memory_space<vmem>>) dst(%dma_wait3A_23 : memref<128x128xf32, #tpu.memory_space<hbm>>)
        tpu.yield
      }) : () -> ()
    }
    %scan3A_7 = arith.constant 40 : i32
    return
  }
}

</mosaic_0001>

<sc_bundles>
// kernel: _sc_gather.3.cloned.1.call-start
scs
__scs_entry_jumppad:
0x0: {  	(pc) =	sbr.rel $0x88, $3  }
0x1: {  	(tag) =	ssettag $0x0;
	lr =	simm.s32 $0x1  }
0x2: {  	[smem:$0x3F9F] =	sst lr;
	_ =	strace $0xD0000000  }
0x3: {  	_ = 	snop  }
0x4: {  	_ = 	snop  }
0x5: {  	_ = 	snop  }
0x6: {  	_ = 	snop  }
0x7: {  	_ = 	snop  }
__scs_overlays_trampoline_lowered:
0x8: {  	[smem:$0x3FAE] =	sst s0  }
0x9: {  	[smem:$0x3FAF] =	sst s1  }
0xa: {  	[smem:$0x3FB0] =	sst s2  }
0xb: {  	[smem:$0x3FB1] =	sst s3  }
0xc: {  	[smem:$0x3FB2] =	sst s4  }
0xd: {  	[smem:$0x3FB3] =	sst s5  }
0xe: {  	[smem:$0x3FB4] =	sst s6  }
0xf: {  	[smem:$0x3FB5] =	sst s7  }
0x10: {  	[smem:$0x3FB6] =	sst s8  }
0x11: {  	[smem:$0x3FB7] =	sst s9;
	s0 =	simm.s32 @!p0 $0x0  }
0x12: {  	s1 =	sld [smem:$0x3F9D];
	s0 =	simm.s32 @p0 $0x1  }
0x13: {  	[smem:$0x3FB8] =	sst s0;
	s0 =	simm.s32 @!p1 $0x0  }
0x14: {  	s2 =	sld [smem:$0x3F9C];
	s0 =	simm.s32 @p1 $0x1  }
0x15: {  	[smem:$0x3FB9] =	sst s0;
	s0 =	simm.s32 @!p2 $0x0  }
0x16: {  	s3 =	sld [smem:$0x3FDB];
	s0 =	simm.s32 @p2 $0x1  }
0x17: {  	s4 =	simm.s32 $0x1BF5;
	[smem:$0x3FBB] =	sst s0  }
0x18: {  	s0 =	sld [smem:$0x3F9E];
	_ =	swait.ge [sflag:s4], $0x0  }
0x19: {  	s7 =	sld [smem:$0x3F9F]  }
0x1a: {  	s8 =	sadd.s32 $0xFFFFE003, lr  }
0x1b: {  	s9 =	sadd.s32 $0xFFFFFEF7, lr;
	s5 =	simm.s32 $0xFFFFFFFF;
	p2 =	slt.u32 s8, $0xFFFFF086  }
0x1c: {  	p1 =	slt.u32 s9, $0xF7A;
	s5 =	simm.s32 @!p2 $0x0  }
0x1d: {  	s5 =	simm.s32 @p1 $0x1;
	p0 =	seq.s32 s7, s2  }
0x1e: {  	s7 =	smul.u32 @!p0 $0xF7A, s2;
	p2 =	seq.s32 @!p0 s5, $0x0  }
0x1f: {  	s9 =	smul.u32 $0xF7A, s1;
	s8 =	simm.s32 @!p0 $0x1BF5;
	p2 =	por !p2, p0  }
0x20: {  	[sflag:s8] =	ssyncset.s32 @!p0 $0xFFFFF086;
	s6 =	sadd.s32 @!p0 s3, s7;
	s7 =	simm.s32 @!p0 $0x108  }
0x21: {  	s3 =	sadd.s32 s3, s9;
	s6 =	sadd.s32 @!p0 $0x88, s6;
	s7 =	simm.s32 @p2 $0x1082  }
0x22: {  	[simem:s7], [sflag:s8] =	dma.local @!p0 [hbm:s6], $0xF7A  }
0x23: {  	s9 =	sor.u32 $0xD0000000, s2;
	s6 =	simm.s32 $0x108;
	_ =	swait.ge @!p0 [sflag:s8], $0x0  }
0x24: {  	s3 =	sadd.s32 $0x88, s3;
	s6 =	simm.s32 @!p1 $0x1082;
	[sflag:s4] =	ssyncset.s32 $0xFFFFF086  }
0x25: {  	[simem:s6], [sflag:s4] =	dma.local [hbm:s3], $0xF7A  }
0x26: {  	[smem:$0x3F9F] =	sst s1;
	(tag) =	ssettag s2;
	_ =	strace s9  }
0x27: {  	s1 =	sld [smem:$0x3FAF]  }
0x28: {  	s2 =	sld [smem:$0x3FB0]  }
0x29: {  	s4 =	sld [smem:$0x3FB2]  }
0x2a: {  	p0 =	seq.s32 s5, $0x0;
	s5 =	sld [smem:$0x3FB3]  }
0x2b: {  	s6 =	sld [smem:$0x3FB4]  }
0x2c: {  	s7 =	sld [smem:$0x3FB5]  }
0x2d: {  	s3 =	simm.s32 $0x108;
	s8 =	sld [smem:$0x3FB6]  }
0x2e: {  	s3 =	simm.s32 @!p0 $0x1082;
	s9 =	sld [smem:$0x3FB7]  }
0x2f: {  	lr =	sadd.s32 s0, s3;
	s0 =	sld [smem:$0x3FAE]  }
0x30: {  	s3 =	sld [smem:$0x3FB1]  }
0x31: {  	[smem:$0x3FBA] =	sst s10  }
0x32: {  	s10 =	sld [smem:$0x3FB8];
	_ =	sdelay $0x3  }
0x33: {  	p0 =	seq.s32 s10, $0x1;
	s10 =	sld [smem:$0x3FBA];
	_ =	sdelay $0x3  }
0x34: {  	[smem:$0x3FBA] =	sst s10  }
0x35: {  	s10 =	sld [smem:$0x3FB9];
	_ =	sdelay $0x3  }
0x36: {  	p1 =	seq.s32 s10, $0x1;
	s10 =	sld [smem:$0x3FBA];
	_ =	sdelay $0x3  }
0x37: {  	[smem:$0x3FBA] =	sst s10  }
0x38: {  	s10 =	sld [smem:$0x3FBB]  }
0x39: {  	_ = 	snop;
	(pc) =	sbr.ind lr, $3  }
0x3a: {  	_ = 	snop  }
0x3b: {  	_ = 	snop  }
0x3c: {  	p2 =	seq.s32 s10, $0x1;
	s10 =	sld [smem:$0x3FBA]  }
0x3d: {  	_ =	shalt  }
0x3e: {  	_ =	shalt  }
0x3f: {  	_ =	shalt  }
0x40: {  	_ =	shalt  }
0x41: {  	_ =	shalt  }
0x42: {  	_ =	shalt  }
0x43: {  	_ =	shalt  }
0x44: {  	_ =	shalt  }
0x45: {  	_ =	shalt  }
0x46: {  	_ =	shalt  }
0x47: {  	_ =	shalt  }
0x48: {  	_ =	shalt  }
0x49: {  	_ =	shalt  }
0x4a: {  	_ =	shalt  }
0x4b: {  	_ =	shalt  }
0x4c: {  	_ =	shalt  }
0x4d: {  	_ =	shalt  }
0x4e: {  	_ =	shalt  }
0x4f: {  	_ =	shalt  }
0x50: {  	_ =	shalt  }
0x51: {  	_ =	shalt  }
0x52: {  	_ =	shalt  }
0x53: {  	_ =	shalt  }
0x54: {  	_ =	shalt  }
0x55: {  	_ =	shalt  }
0x56: {  	_ =	shalt  }
0x57: {  	_ =	shalt  }
0x58: {  	_ =	shalt  }
0x59: {  	_ =	shalt  }
0x5a: {  	_ =	shalt  }
0x5b: {  	_ =	shalt  }
0x5c: {  	_ =	shalt  }
0x5d: {  	_ =	shalt  }
0x5e: {  	_ =	shalt  }
0x5f: {  	_ =	shalt  }
0x60: {  	_ =	shalt  }
0x61: {  	_ =	shalt  }
0x62: {  	_ =	shalt  }
0x63: {  	_ =	shalt  }
0x64: {  	_ =	shalt  }
0x65: {  	_ =	shalt  }
0x66: {  	_ =	shalt  }
0x67: {  	_ =	shalt  }
0x68: {  	_ =	shalt  }
0x69: {  	_ =	shalt  }
0x6a: {  	_ =	shalt  }
0x6b: {  	_ =	shalt  }
0x6c: {  	_ =	shalt  }
0x6d: {  	_ =	shalt  }
0x6e: {  	_ =	shalt  }
0x6f: {  	_ =	shalt  }
0x70: {  	_ =	shalt  }
0x71: {  	_ =	shalt  }
0x72: {  	_ =	shalt  }
0x73: {  	_ =	shalt  }
0x74: {  	_ =	shalt  }
0x75: {  	_ =	shalt  }
0x76: {  	_ =	shalt  }
0x77: {  	_ =	shalt  }
0x78: {  	_ =	shalt  }
0x79: {  	_ =	shalt  }
0x7a: {  	_ =	shalt  }
0x7b: {  	_ =	shalt  }
0x7c: {  	_ =	shalt  }
0x7d: {  	_ =	shalt  }
0x7e: {  	_ =	shalt  }
0x7f: {  	_ =	shalt  }
0x80: {  	_ =	shalt  }
0x81: {  	_ =	shalt  }
0x82: {  	_ =	shalt  }
0x83: {  	_ =	shalt  }
0x84: {  	_ =	shalt  }
0x85: {  	_ =	shalt  }
0x86: {  	_ =	shalt  }
0x87: {  	_ =	shalt  }
.Lfunc_end0:
.L_simem_size_0:
called_computation_lowered:
.L_overlay_start_0:
0x88: {  	s2 =	sld [smem:$0x3FD9]  }
0x89: {  	s3 =	sld [smem:$0x3FFE];
	_ =	sdelay $0x1  }
0x8a: {  	s1 =	srdreg.scid  }
0x8b: {  	s0 =	sand.u32 $0x1, s1  }
0x8c: {  	s18 =	sshll.u32 s0, $0xA;
	s2 =	sadd.s32 s3, s2  }
0x8d: {  	s2 =	sadd.s32 s2, s18  }
0x8e: {  	[smem:$0x3FC6] =	sst s2  }
0x8f: {  	_ = 	snop  }
0x90: {  	s2 =	sld [smem:$0x3FC9]  }
0x91: {  	s19 =	sld [smem:$0x3FC8]  }
0x92: {  	s4 =	sld [smem:$0x3FD0];
	(tm) =	ssettm $0x1  }
0x93: {  	s5 =	sld [smem:$0x3FFB];
	_ =	sdelay $0x3  }
0x94: {  	_ =	strace s5  }
0x95: {  	s5 =	sld [smem:$0x3FFC];
	_ =	sdelay $0x3  }
0x96: {  	_ =	strace s5  }
0x97: {  	s5 =	sld [smem:$0x3FFD];
	_ =	sdelay $0x3  }
0x98: {  	_ =	strace s5  }
0x99: {  	_ =	strace $0x8FFFFFFF  }
0x9a: {  	s20 =	sld [smem:$0x3FDB];
	_ =	sdelay $0x1  }
0x9b: {  	s6 =	simm.s32 $_scs_section_size  }
0x9c: {  	s7 =	simm.s32 $_size__tile_overlayer_lowered;
	s8 =	simm.s32 $_tile_overlayer_lowered  }
0x9d: {  	s23 =	simm.s32 $0x1BFF;
	s22 =	sshll.u32 s8, $0x1;
	s5 =	sadd.s32 s6, s20  }
0x9e: {  	s9 =	simm.s32 $0x0;
	s21 =	sshll.u32 s7, $0x1;
	s7 =	sadd.s32 s22, s5  }
0x9f: {  	[timem:s9], [sflag:s23] =	dma.local [hbm:s7], s21  }
0xa0: {  	_ =	swait.ge [sflag:s23], s21  }
0xa1: {  	s6 =	ssub.s32 $0x0, s21;
	[sflag:s23] =	ssyncset.done $0x0  }
0xa2: {  	[sflag:s23] =	ssyncadd.s32 s6;
	_ =	sdelay $0x1  }
0xa3: {  	s24 =	simm.s32 $0x1B8B  }
0xa4: {  	_ =	swait.ge [sflag:s24], $0x1  }
0xa5: {  	[sflag:s24] =	ssyncset.done $0x0  }
0xa6: {  	s25 =	simm.s32 $0x1B8E;
	[sflag:s24] =	ssyncadd.s32 $0xFFFFFFFF  }
0xa7: {  	s26 =	simm.s32 $execute0_lowered;
	[smem:$0x3FD2] =	sst s25  }
0xa8: {  	s6 =	sshll.u32 s26, $0x1;
	_ =	strace $0x80000046;
	[dreg:$0x1] =	wrdreg $0xFFFFFFFF  }
0xa9: {  	s28 =	simm.s32 $_size_execute0_lowered;
	s5 =	sadd.s32 s5, s6;
	[dreg:$0x0] =	wrdreg $0x0  }
0xaa: {  	s6 =	sshll.u32 s28, $0x1;
	[dreg:$0x2] =	wrdreg s5  }
0xab: {  	[dreg:$0x3] =	wrdreg s6  }
0xac: {  	[dreg:$0x4] =	wrdreg $0xC0  }
0xad: {  	_ =	task [dreg:s9], $0x5FFFF  }
0xae: {  	[dreg:$0x1] =	wrdreg $0xFFFFFFFF  }
0xaf: {  	[dreg:$0x0] =	wrdreg $0x60  }
0xb0: {  	[dreg:$0x2] =	wrdreg s2  }
0xb1: {  	[dreg:$0x3] =	wrdreg s19  }
0xb2: {  	[dreg:$0x4] =	wrdreg s4  }
0xb3: {  	[dreg:$0x5] =	wrdreg $0x9  }
0xb4: {  	_ =	task.clear_ibuf [dreg:s9], $0x6FFFF;
	_ =	strace $0x90000046  }
0xb5: {  	s29 =	simm.s32 $0x9;
	_ =	strace $0x80000048  }
0xb6: {  	_ =	swait.ge [sflag:s29], $0x1  }
0xb7: {  	[sflag:s29] =	ssyncadd.s32 $0xFFFFFFFF  }
0xb8: {  	_ =	strace $0x90000048  }
0xb9: {  	_ =	sfence  }
0xba: {  	s30 =	sld [smem:$0x0];
	_ =	sdelay $0x2  }
0xbb: {  	s31 =	sshll.u32 s1, $0xD;
	s1 =	sshrl.u32 s1, $0x2  }
0xbc: {  	s3 =	sand.u32 $0x4000, s31;
	s1 =	sadd.s32 s1, s30  }
0xbd: {  	s0 =	sor.u32 s3, s0;
	s1 =	sshll.u32 s1, $0x11  }
0xbe: {  	s0 =	sor.u32 s1, s0  }
0xbf: {  	s0 =	sadd.s32 $0x8F2B, s0  }
0xc0: {  	[sflag:s0] =	ssyncadd.remote.s32 $0x1  }
0xc1: {  	_ =	sfence.sel $0xFFFF  }
0xc2: {  	[dreg:$0x0] =	wrdreg $0xFFFFFFFF;
	(pc) =	sbr.abs _section_cstart, $3  }
0xc3: {  	[dreg:$0x1] =	wrdreg $0xFFFFFFFF  }
0xc4: {  	_ =	task.clear_ibuf [dreg:s9], $0x2FFFF;
	_ =	strace $0x9FFFFFFF  }
0xc5: {  	(tm) =	ssettm $0x7FFFFFFF  }
tec
execute0_lowered:
.L_overlay_start_1:
0x0: {  	(tag) =	ssettag $0x1  }
0x1: {  	s1 =	rddreg [dreg:$0x0]  }
0x2: {  	s6 =	rddreg [dreg:$0x1]  }
0x3: {  	s0 =	srdreg.scid;
	s2 =	stileid.u32  }
0x4: {  	s4 =	rddreg [dreg:$0x2];
	s5 =	sand.u32 $0x1, s0;
	s9 =	smul.u32 $0x1400, s2  }
0x5: {  	s3 =	simm.s32 $0x0;
	s0 =	rddreg [dreg:$0x3];
	s7 =	smul.u32 $0x140000, s5  }
0x6: {  	[smem:$0x7FF] =	sst s3;
	s8 =	smul.u32 $0x14000, s5;
	s5 =	ssub.s32 $0x2, s5  }
0x7: {  	s11 =	smul.u32 $0x14000, s2;
	_ =	strace $0x80000047;
	s10 =	sshrl.u32 s5, $0x1  }
0x8: {  	s5 =	ssub.s32 s5, s10;
	s7 =	sadd.s32 s7, s4;
	s8 =	sadd.s32 s9, s8  }
0x9: {  	s9 =	simm.s32 $0x80;
	s10 =	simm.s32 $0x1;
	s4 =	smax.u32 s5, $0x1  }
0xa: {  	s5 =	sadd.s32 s11, s7;
	s31 =	sshrl.u32 s8, $0x3;
	s7 =	simm.s32 $0x4000  }
0xb: {  	s8 =	simm.s32 $0x2;
	s11 =	simm.s32 $0x0;
	s6 =	sadd.s32 s31, s6  }
.LBB2_1:
0xc: {  	s12 =	sadd.s32 $0x0, s6  }
0xd: {  	[tilespmem:s7], [sflag:$0x2] =	stream.linear.gather [hbm4b:s12+s3], $0x80, $0x38;
	[tilespmem:$0x4080] =	vst v63  }
0xe: {  	_ =	swait.ge [sflag:s8], $0x80  }
0xf: {  	[sflag:s8] =	ssyncset.done $0x0  }
0x10: {  	[sflag:s8] =	ssyncadd.s32 $0xFFFFFF80  }
0x11: {  	[tilespmem:s3], [sflag:$0x1] =	stream.indirect.gather [hbm4b:s1+s9], $0x80, s7, s9, $0xb8;
	[tilespmem:$0x4080] =	vst v63  }
0x12: {  	_ =	swait.ge [sflag:s10], $0x4000  }
0x13: {  	[sflag:s10] =	ssyncset.done $0x0  }
0x14: {  	[sflag:s10] =	ssyncadd.s32 $0xFFFFC000  }
0x15: {  	[hbm4b:s5+s3] =	stream.linear.scatter [tilespmem:s3], [sflag:$0x2], $0x4000, $0x38;
	[tilespmem:$0x4080] =	vst v63  }
0x16: {  	s13 =	simm.s32 $0x10;
	_ =	swait.ge [sflag:s8], $0x4000  }
0x17: {  	s14 =	simm.s32 $0x20;
	s12 =	sadd.s32 $0x800, s5;
	[sflag:s8] =	ssyncset.done $0x0  }
.LBB2_2:
0x18: {  	s15 =	sadd.s32 s13, s6  }
0x19: {  	[sflag:s8] =	ssyncadd.s32 $0xFFFFC000;
	s13 =	smov.u32 s14;
	s16 =	sadd.s32 $0x10, s14  }
0x1a: {  	[tilespmem:s7], [sflag:$0x2] =	stream.linear.gather [hbm4b:s15+s3], $0x80, $0x38;
	[tilespmem:$0x4080] =	vst v63  }
0x1b: {  	p0 =	sne.s32 s14, $0x270;
	_ =	swait.ge [sflag:s8], $0x80  }
0x1c: {  	[sflag:s8] =	ssyncset.done $0x0  }
0x1d: {  	[sflag:s8] =	ssyncadd.s32 $0xFFFFFF80  }
0x1e: {  	[tilespmem:s3], [sflag:$0x1] =	stream.indirect.gather [hbm4b:s1+s9], $0x80, s7, s9, $0xb8;
	[tilespmem:$0x4080] =	vst v63  }
0x1f: {  	_ =	swait.ge [sflag:s10], $0x4000  }
.Ltmp0:
0x20: {  	[sflag:s10] =	ssyncset.done $0x0;
	(pc) =	sbr.rel @p0 .LBB2_2-.Ltmp0, $4  }
0x21: {  	[sflag:s10] =	ssyncadd.s32 $0xFFFFC000  }
0x22: {  	[hbm4b:s12+s3] =	stream.linear.scatter [tilespmem:s3], [sflag:$0x2], $0x4000, $0x38;
	[tilespmem:$0x4080] =	vst v63  }
0x23: {  	_ =	swait.ge [sflag:s8], $0x4000  }
0x24: {  	s14 =	smov.u32 s16;
	s12 =	sadd.s32 $0x800, s12;
	[sflag:s8] =	ssyncset.done $0x0  }
0x25: {  	s13 =	sadd.s32 s13, s6;
	[sflag:s8] =	ssyncadd.s32 $0xFFFFC000  }
0x26: {  	[tilespmem:s7], [sflag:$0x2] =	stream.linear.gather [hbm4b:s13+s3], $0x80, $0x38;
	[tilespmem:$0x4080] =	vst v63  }
0x27: {  	_ =	swait.ge [sflag:s8], $0x80  }
0x28: {  	[sflag:s8] =	ssyncset.done $0x0  }
0x29: {  	[sflag:s8] =	ssyncadd.s32 $0xFFFFFF80  }
0x2a: {  	[tilespmem:s3], [sflag:$0x1] =	stream.indirect.gather [hbm4b:s1+s9], $0x80, s7, s9, $0xb8;
	[tilespmem:$0x4080] =	vst v63  }
0x2b: {  	s11 =	sadd.s32 $0x1, s11;
	_ =	swait.ge [sflag:s10], $0x4000  }
0x2c: {  	p0 =	sne.s32 s11, s4;
	[sflag:s10] =	ssyncset.done $0x0  }
.Ltmp1:
0x2d: {  	[sflag:s10] =	ssyncadd.s32 $0xFFFFC000;
	(pc) =	sbr.rel @p0 .LBB2_1-.Ltmp1, $4  }
0x2e: {  	[hbm4b:s12+s3] =	stream.linear.scatter [tilespmem:s3], [sflag:$0x2], $0x4000, $0x38;
	[tilespmem:$0x4080] =	vst v63  }
0x2f: {  	_ =	swait.ge [sflag:s8], $0x4000  }
0x30: {  	[sflag:s8] =	ssyncset.done $0x0  }
0x31: {  	[sflag:s8] =	ssyncadd.s32 $0xFFFFC000  }
0x32: {  	_ =	sfence.sel $0x180000  }
0x33: {  	[bflag:$0x0] =	sbarrier.arrive $0xFFFF  }
0x34: {  	p0 =	sne.s32 s2, $0x0;
	_ =	strace $0x90000047  }
0x35: {  	s0 =	sadd.s32 @!p0 $0x100000, s0;
	[bflag:$0x2] =	sbarrier.arrive $0xFFFF  }
0x36: {  	[sflag:s0] =	ssyncadd.tile.s32 @!p0 $0x1;
	_ =	shalt  }
.Lfunc_end2:
_tile_overlayer_lowered:
.L_overlay_start_2:
0x37: {  	(tag) =	ssettag $0x2  }
0x38: {  	s0 =	rddreg [dreg:$0x0];
	s2 =	stileid.u32  }
0x39: {  	s1 =	rddreg [dreg:$0x1];
	p0 =	sne.s32 s2, $0x0  }
0x3a: {  	s3 =	rddreg [dreg:$0x2];
	[bflag:$0x3] =	sbarrier.arrive $0xFFFF;
	s2 =	simm.s32 @!p0 $0x1C02  }
0x3b: {  	[timem:s3], [sflag:s2] =	dma.local @!p0 [hbm:s0], s1  }
0x3c: {  	s0 =	simm.s32 @!p0 $0x2  }
0x3d: {  	_ =	swait.ge @!p0 [sflag:s0], s1  }
0x3e: {  	s1 =	ssub.s32 @!p0 $0x0, s1;
	[sflag:s0] =	ssyncset.done @!p0 $0x0  }
0x3f: {  	[sflag:s0] =	ssyncadd.s32 @!p0 s1  }
0x40: {  	[bflag:$0x3] =	sbarrier.arrive $0xFFFF  }
0x41: {  	_ =	shalt  }

</sc_bundles>
